<compile_context>
chip_gen: v7x
topology: tpu7x:2x2x1
jax: 0.10.2.dev20260603
libtpu: 0.0.44.dev20260713+nightly
codegen_flags: <defaults>
</compile_context>

<pallas_src>
import functools

import jax
import jax.numpy as jnp
from jax import lax
from jax.experimental import pallas as pl
from jax.experimental.pallas import tpu as pltpu
from jax.experimental.pallas import tpu_sc as plsc

DIM = 32
K = 8192
N = 8192
TOKEN_BLOCK = 1024
_CHUNK_K = 2048



def _dist_argmin_body(x_ref, embt_ref, codes_ref):
    xb = x_ref[...]
    embt = embt_ref[...]
    a_sq = jnp.sum(xb * xb, axis=-1, keepdims=True)
    b_sq = jnp.sum(embt * embt, axis=0, keepdims=True)
    prod2 = lax.dot_general(
        -2.0 * xb, embt, (((1,), (0,)), ((), ())),
        preferred_element_type=jnp.float32,
    )
    iota_f = lax.broadcasted_iota(
        jnp.int32, (xb.shape[0], _CHUNK_K), 1).astype(jnp.float32)
    best_v = None
    best_i = None
    for c in range(K // _CHUNK_K):
        dslice = (a_sq + b_sq[:, c * _CHUNK_K:(c + 1) * _CHUNK_K]) + \
            prod2[:, c * _CHUNK_K:(c + 1) * _CHUNK_K]
        cmin = jnp.min(dslice, axis=1, keepdims=True)
        cidx = jnp.min(jnp.where(dslice == cmin, iota_f, float(_CHUNK_K)),
                       axis=1, keepdims=True).astype(jnp.int32) + c * _CHUNK_K
        if c == 0:
            best_v, best_i = cmin, cidx
        else:
            keep = (best_v < cmin) | ((best_v == cmin) & (best_i < cidx))
            best_v = jnp.where(keep, best_v, cmin)
            best_i = jnp.where(keep, best_i, cidx)
        best_v = best_v.astype(jnp.bfloat16).astype(jnp.float32)
    codes_ref[...] = best_i


def _dist_argmin(xf, embt, n_local):
    return pl.pallas_call(
        _dist_argmin_body,
        grid=(n_local // TOKEN_BLOCK,),
        in_specs=[
            pl.BlockSpec((TOKEN_BLOCK, DIM), lambda i: (i, 0)),
            pl.BlockSpec((DIM, K), lambda i: (0, 0)),
        ],
        out_specs=pl.BlockSpec((TOKEN_BLOCK, 1), lambda i: (i, 0)),
        out_shape=jax.ShapeDtypeStruct((n_local, 1), jnp.int32),
    )(xf, embt)



_NC, _NS = 2, 16
_NW = _NC * _NS
_CHUNK = 128


@functools.lru_cache(maxsize=8)
def _make_sc_gather(n_local):
    bpw = n_local // _NW
    nch = bpw // _CHUNK
    mesh = plsc.VectorSubcoreMesh(core_axis_name="c", subcore_axis_name="s")

    @functools.partial(
        pl.kernel,
        mesh=mesh,
        out_type=jax.ShapeDtypeStruct((n_local, DIM), jnp.float32),
        scratch_types=[
            pltpu.VMEM((nch, _CHUNK), jnp.int32),
            pltpu.VMEM((nch, _CHUNK, DIM), jnp.float32),
            pltpu.SemaphoreType.DMA,
        ],
        compiler_params=pltpu.CompilerParams(use_tc_tiling_on_sc=False),
    )
    def _sc_gather(table_hbm, idx_hbm, out_hbm, idx_v, rows_v, sem):
        wid = lax.axis_index("s") * _NC + lax.axis_index("c")
        pltpu.sync_copy(idx_hbm.at[pl.ds(wid * nch, nch)], idx_v)
        copies = [
            pltpu.async_copy(table_hbm.at[idx_v.at[j]], rows_v.at[j], sem)
            for j in range(nch)
        ]
        for c in copies:
            c.wait()
        for j in range(nch):
            pltpu.sync_copy(
                rows_v.at[j], out_hbm.at[pl.ds(wid * bpw + j * _CHUNK, _CHUNK)]
            )

    return _sc_gather




def _run_shard(xf, embedding):
    n_local = xf.shape[0]
    embt = embedding.T
    codes = jnp.reshape(_dist_argmin(xf, embt, n_local), (-1,))
    idx2d = jnp.reshape(codes, (-1, _CHUNK))
    quantized = _make_sc_gather(n_local)(embedding, idx2d)
    return quantized, xf, codes


def kernel(x, embedding):
    xf = jnp.reshape(x, (-1, x.shape[-1]))
    return _run_shard(xf, embedding)

# --- scband reference (transcript-rebuilt; emitter-appended) ---
"""Pipeline reference for scband-euclidean-codebook-2473901162732 (READ-ONLY COPY).

The authoritative reference and input builder live on the scoring server;
editing this copy changes nothing except your own understanding.
"""

import jax, jax.numpy as jnp
import numpy as np

DIM = 32
CODEBOOK_SIZE = 8192

def setup_inputs(seed: int = 0) -> dict:
    key = jax.random.key(seed)
    k1, k2 = jax.random.split(key)
    x = jax.random.normal(k1, (8, 1024, DIM), dtype=jnp.float32)
    # learned parameter: codebook embedding [codebook_size, dim]
    embedding = jax.random.normal(k2, (CODEBOOK_SIZE, DIM), dtype=jnp.float32)
    return {"x": x, "embedding": embedding}

def reference(x, embedding):
    # _reshape_input: flatten to [N, D]
    xf = jnp.reshape(x, (-1, x.shape[-1]))
    # _quantize: squared-euclidean distance via expansion, then argmin
    a_squared = jnp.sum(xf ** 2, axis=-1, keepdims=True)
    b_squared = jnp.transpose(jnp.sum(embedding ** 2, axis=-1, keepdims=True))
    distance = a_squared + b_squared - 2 * jnp.matmul(xf, jnp.transpose(embedding))
    codes = jnp.argmin(distance, axis=-1)
    # decode: gather centroids
    quantized = embedding[codes]
    # original returns (quantized, (x, codes), {}); we return the array outputs
    return (quantized, xf, codes)

if __name__ == "__main__":
    import jax
    _d = setup_inputs()
    print(jax.jit(kernel)(*tuple(_d.values())))

</pallas_src>

<mosaic_0001>
#map = affine_map<(d0, d1) -> (0, 0)>
module attributes {stable_mosaic.version = 14 : i64} {
  func.func @_sc_gather(%arg0: i32, %arg1: i32, %arg2: memref<8192x32xf32, #tpu.memory_space<hbm>>, %arg3: memref<64x128xi32, #tpu.memory_space<hbm>>, %arg4: memref<8192x32xf32, #tpu.memory_space<hbm>>, %arg5: memref<2x128xi32, #tpu.memory_space<vmem>>, %arg6: memref<2x128x32xf32, #tpu.memory_space<vmem>>, %arg7: memref<!tpu.dma_semaphore, #tpu.memory_space<semaphore_mem>>) attributes {dimension_semantics = [#tpu.dimension_semantics<core_parallel>, #tpu.dimension_semantics<subcore_parallel>], iteration_bounds = array<i64: 2, 16>, scalar_prefetch = 0 : i64, scratch_operands = 3 : i64, tpu.core_type = #tpu.core_type<sc_vector_subcore>, window_params = [{transform_indices = #map}, {transform_indices = #map}, {transform_indices = #map}]} {
    %mul3A = arith.constant 2 : i32
    %mul3A_0 = arith.muli %arg1, %mul3A : i32
    %add3A = arith.addi %mul3A_0, %arg0 : i32
    %mul3A_1 = arith.constant 2 : i32
    %mul3A_2 = arith.muli %add3A, %mul3A_1 : i32
    "tpu.region"() ({
      %run_scoped3A_58 = tpu.sem_alloc : memref<!tpu.dma_semaphore, #tpu.memory_space<semaphore_mem>>
      %dma_start3A_59 = arith.constant 0 : i32
      %dma_start3A_60 = tpu.memref_slice %arg3[%mul3A_2, %dma_start3A_59] : memref<64x128xi32, #tpu.memory_space<hbm>> -> memref<2x128xi32, #tpu.memory_space<hbm>>
      %dma_start3A_61 = arith.constant 0 : i32
      %dma_start3A_62 = tpu.memref_slice %arg3[%mul3A_2, %dma_start3A_61] : memref<64x128xi32, #tpu.memory_space<hbm>> -> memref<2x128xi32, #tpu.memory_space<hbm>>
      tpu.enqueue_dma source(%dma_start3A_62 : memref<2x128xi32, #tpu.memory_space<hbm>>) target(%arg5 : memref<2x128xi32, #tpu.memory_space<vmem>>) target_semaphore(%run_scoped3A_58 : memref<!tpu.dma_semaphore, #tpu.memory_space<semaphore_mem>>)
      %dma_wait3A_63 = arith.constant 0 : i32
      %dma_wait3A_64 = tpu.memref_slice %arg3[%mul3A_2, %dma_wait3A_63] : memref<64x128xi32, #tpu.memory_space<hbm>> -> memref<2x128xi32, #tpu.memory_space<hbm>>
      %dma_wait3A_65 = arith.constant 0 : i32
      %dma_wait3A_66 = tpu.memref_slice %arg3[%mul3A_2, %dma_wait3A_65] : memref<64x128xi32, #tpu.memory_space<hbm>> -> memref<2x128xi32, #tpu.memory_space<hbm>>
      tpu.wait_dma2 semaphore(%run_scoped3A_58 : memref<!tpu.dma_semaphore, #tpu.memory_space<semaphore_mem>>) src(%dma_wait3A_66 : memref<2x128xi32, #tpu.memory_space<hbm>>) dst(%arg5 : memref<2x128xi32, #tpu.memory_space<vmem>>)
      tpu.yield
    }) : () -> ()
    %dma_start3A = arith.constant 0 : i32
    %dma_start3A_3 = arith.constant 0 : i32
    %dma_start3A_4 = arith.constant 0 : i32
    %dma_start3A_5 = arith.constant 0 : i32
    %dma_start3A_6 = tpu.memref_slice %arg6[%dma_start3A_3, %dma_start3A_4, %dma_start3A_5] : memref<2x128x32xf32, #tpu.memory_space<vmem>> -> memref<1x128x32xf32, #tpu.memory_space<vmem>>
    %dma_start3A_7 = tpu.memref_squeeze %dma_start3A_6 : memref<1x128x32xf32, #tpu.memory_space<vmem>> -> memref<128x32xf32, #tpu.memory_space<vmem>>
    %dma_start3A_8 = arith.constant 0 : i32
    %dma_start3A_9 = tpu.memref_slice %arg5[%dma_start3A, %dma_start3A_8] : memref<2x128xi32, #tpu.memory_space<vmem>> -> memref<1x128xi32, #tpu.memory_space<vmem>>
    %dma_start3A_10 = tpu.memref_squeeze %dma_start3A_9 : memref<1x128xi32, #tpu.memory_space<vmem>> -> memref<128xi32, #tpu.memory_space<vmem>>
    %dma_start3A_11 = arith.constant 0 : i32
    %dma_start3A_12 = arith.constant 0 : i32
    %dma_start3A_13 = tpu.memref_slice %arg2[%dma_start3A_11, %dma_start3A_12] : memref<8192x32xf32, #tpu.memory_space<hbm>> -> memref<8192x32xf32, #tpu.memory_space<hbm>>
    tpu.enqueue_indirect_dma source(%dma_start3A_13 : memref<8192x32xf32, #tpu.memory_space<hbm>>) target(%dma_start3A_7 : memref<128x32xf32, #tpu.memory_space<vmem>>) offsets(%dma_start3A_10 : memref<128xi32, #tpu.memory_space<vmem>>) semaphore(%arg7 : memref<!tpu.dma_semaphore, #tpu.memory_space<semaphore_mem>>)
    %dma_start3A_14 = arith.constant 1 : i32
    %dma_start3A_15 = arith.constant 1 : i32
    %dma_start3A_16 = arith.constant 0 : i32
    %dma_start3A_17 = arith.constant 0 : i32
    %dma_start3A_18 = tpu.memref_slice %arg6[%dma_start3A_15, %dma_start3A_16, %dma_start3A_17] : memref<2x128x32xf32, #tpu.memory_space<vmem>> -> memref<1x128x32xf32, #tpu.memory_space<vmem>>
    %dma_start3A_19 = tpu.memref_squeeze %dma_start3A_18 : memref<1x128x32xf32, #tpu.memory_space<vmem>> -> memref<128x32xf32, #tpu.memory_space<vmem>>
    %dma_start3A_20 = arith.constant 0 : i32
    %dma_start3A_21 = tpu.memref_slice %arg5[%dma_start3A_14, %dma_start3A_20] : memref<2x128xi32, #tpu.memory_space<vmem>> -> memref<1x128xi32, #tpu.memory_space<vmem>>
    %dma_start3A_22 = tpu.memref_squeeze %dma_start3A_21 : memref<1x128xi32, #tpu.memory_space<vmem>> -> memref<128xi32, #tpu.memory_space<vmem>>
    %dma_start3A_23 = arith.constant 0 : i32
    %dma_start3A_24 = arith.constant 0 : i32
    %dma_start3A_25 = tpu.memref_slice %arg2[%dma_start3A_23, %dma_start3A_24] : memref<8192x32xf32, #tpu.memory_space<hbm>> -> memref<8192x32xf32, #tpu.memory_space<hbm>>
    tpu.enqueue_indirect_dma source(%dma_start3A_25 : memref<8192x32xf32, #tpu.memory_space<hbm>>) target(%dma_start3A_19 : memref<128x32xf32, #tpu.memory_space<vmem>>) offsets(%dma_start3A_22 : memref<128xi32, #tpu.memory_space<vmem>>) semaphore(%arg7 : memref<!tpu.dma_semaphore, #tpu.memory_space<semaphore_mem>>)
    %dma_wait3A = arith.constant 0 : i32
    %dma_wait3A_26 = arith.constant 0 : i32
    %dma_wait3A_27 = arith.constant 0 : i32
    %dma_wait3A_28 = arith.constant 0 : i32
    %dma_wait3A_29 = tpu.memref_slice %arg6[%dma_wait3A_26, %dma_wait3A_27, %dma_wait3A_28] : memref<2x128x32xf32, #tpu.memory_space<vmem>> -> memref<1x128x32xf32, #tpu.memory_space<vmem>>
    %dma_wait3A_30 = tpu.memref_squeeze %dma_wait3A_29 : memref<1x128x32xf32, #tpu.memory_space<vmem>> -> memref<128x32xf32, #tpu.memory_space<vmem>>
    %dma_wait3A_31 = arith.constant 0 : i32
    %dma_wait3A_32 = tpu.memref_slice %arg5[%dma_wait3A, %dma_wait3A_31] : memref<2x128xi32, #tpu.memory_space<vmem>> -> memref<1x128xi32, #tpu.memory_space<vmem>>
    %dma_wait3A_33 = tpu.memref_squeeze %dma_wait3A_32 : memref<1x128xi32, #tpu.memory_space<vmem>> -> memref<128xi32, #tpu.memory_space<vmem>>
    %dma_wait3A_34 = arith.constant 0 : i32
    %dma_wait3A_35 = arith.constant 0 : i32
    %dma_wait3A_36 = tpu.memref_slice %arg2[%dma_wait3A_34, %dma_wait3A_35] : memref<8192x32xf32, #tpu.memory_space<hbm>> -> memref<8192x32xf32, #tpu.memory_space<hbm>>
    tpu.wait_indirect_dma semaphore(%arg7 : memref<!tpu.dma_semaphore, #tpu.memory_space<semaphore_mem>>) src(%dma_wait3A_36 : memref<8192x32xf32, #tpu.memory_space<hbm>>) dst(%dma_wait3A_30 : memref<128x32xf32, #tpu.memory_space<vmem>>)
    %dma_wait3A_37 = arith.constant 1 : i32
    %dma_wait3A_38 = arith.constant 1 : i32
    %dma_wait3A_39 = arith.constant 0 : i32
    %dma_wait3A_40 = arith.constant 0 : i32
    %dma_wait3A_41 = tpu.memref_slice %arg6[%dma_wait3A_38, %dma_wait3A_39, %dma_wait3A_40] : memref<2x128x32xf32, #tpu.memory_space<vmem>> -> memref<1x128x32xf32, #tpu.memory_space<vmem>>
    %dma_wait3A_42 = tpu.memref_squeeze %dma_wait3A_41 : memref<1x128x32xf32, #tpu.memory_space<vmem>> -> memref<128x32xf32, #tpu.memory_space<vmem>>
    %dma_wait3A_43 = arith.constant 0 : i32
    %dma_wait3A_44 = tpu.memref_slice %arg5[%dma_wait3A_37, %dma_wait3A_43] : memref<2x128xi32, #tpu.memory_space<vmem>> -> memref<1x128xi32, #tpu.memory_space<vmem>>
    %dma_wait3A_45 = tpu.memref_squeeze %dma_wait3A_44 : memref<1x128xi32, #tpu.memory_space<vmem>> -> memref<128xi32, #tpu.memory_space<vmem>>
    %dma_wait3A_46 = arith.constant 0 : i32
    %dma_wait3A_47 = arith.constant 0 : i32
    %dma_wait3A_48 = tpu.memref_slice %arg2[%dma_wait3A_46, %dma_wait3A_47] : memref<8192x32xf32, #tpu.memory_space<hbm>> -> memref<8192x32xf32, #tpu.memory_space<hbm>>
    tpu.wait_indirect_dma semaphore(%arg7 : memref<!tpu.dma_semaphore, #tpu.memory_space<semaphore_mem>>) src(%dma_wait3A_48 : memref<8192x32xf32, #tpu.memory_space<hbm>>) dst(%dma_wait3A_42 : memref<128x32xf32, #tpu.memory_space<vmem>>)
    %mul3A_49 = arith.constant 256 : i32
    %mul3A_50 = arith.muli %add3A, %mul3A_49 : i32
    %add3A_51 = arith.constant 0 : i32
    %add3A_52 = arith.addi %mul3A_50, %add3A_51 : i32
    %run_scoped3A = arith.constant 0 : i32
    "tpu.region"() ({
      %run_scoped3A_58 = tpu.sem_alloc : memref<!tpu.dma_semaphore, #tpu.memory_space<semaphore_mem>>
      %dma_start3A_59 = arith.constant 0 : i32
      %dma_start3A_60 = arith.constant 0 : i32
      %dma_start3A_61 = tpu.memref_slice %arg6[%run_scoped3A, %dma_start3A_59, %dma_start3A_60] : memref<2x128x32xf32, #tpu.memory_space<vmem>> -> memref<1x128x32xf32, #tpu.memory_space<vmem>>
      %dma_start3A_62 = tpu.memref_squeeze %dma_start3A_61 : memref<1x128x32xf32, #tpu.memory_space<vmem>> -> memref<128x32xf32, #tpu.memory_space<vmem>>
      %dma_start3A_63 = arith.constant 0 : i32
      %dma_start3A_64 = tpu.memref_slice %arg4[%add3A_52, %dma_start3A_63] : memref<8192x32xf32, #tpu.memory_space<hbm>> -> memref<128x32xf32, #tpu.memory_space<hbm>>
      %dma_start3A_65 = arith.constant 0 : i32
      %dma_start3A_66 = tpu.memref_slice %arg4[%add3A_52, %dma_start3A_65] : memref<8192x32xf32, #tpu.memory_space<hbm>> -> memref<128x32xf32, #tpu.memory_space<hbm>>
      %dma_start3A_67 = arith.constant 0 : i32
      %dma_start3A_68 = arith.constant 0 : i32
      %dma_start3A_69 = tpu.memref_slice %arg6[%run_scoped3A, %dma_start3A_67, %dma_start3A_68] : memref<2x128x32xf32, #tpu.memory_space<vmem>> -> memref<1x128x32xf32, #tpu.memory_space<vmem>>
      %dma_start3A_70 = tpu.memref_squeeze %dma_start3A_69 : memref<1x128x32xf32, #tpu.memory_space<vmem>> -> memref<128x32xf32, #tpu.memory_space<vmem>>
      tpu.enqueue_dma source(%dma_start3A_70 : memref<128x32xf32, #tpu.memory_space<vmem>>) target(%dma_start3A_66 : memref<128x32xf32, #tpu.memory_space<hbm>>) target_semaphore(%run_scoped3A_58 : memref<!tpu.dma_semaphore, #tpu.memory_space<semaphore_mem>>)
      %dma_wait3A_71 = arith.constant 0 : i32
      %dma_wait3A_72 = arith.constant 0 : i32
      %dma_wait3A_73 = tpu.memref_slice %arg6[%run_scoped3A, %dma_wait3A_71, %dma_wait3A_72] : memref<2x128x32xf32, #tpu.memory_space<vmem>> -> memref<1x128x32xf32, #tpu.memory_space<vmem>>
      %dma_wait3A_74 = tpu.memref_squeeze %dma_wait3A_73 : memref<1x128x32xf32, #tpu.memory_space<vmem>> -> memref<128x32xf32, #tpu.memory_space<vmem>>
      %dma_wait3A_75 = arith.constant 0 : i32
      %dma_wait3A_76 = tpu.memref_slice %arg4[%add3A_52, %dma_wait3A_75] : memref<8192x32xf32, #tpu.memory_space<hbm>> -> memref<128x32xf32, #tpu.memory_space<hbm>>
      %dma_wait3A_77 = arith.constant 0 : i32
      %dma_wait3A_78 = tpu.memref_slice %arg4[%add3A_52, %dma_wait3A_77] : memref<8192x32xf32, #tpu.memory_space<hbm>> -> memref<128x32xf32, #tpu.memory_space<hbm>>
      %dma_wait3A_79 = arith.constant 0 : i32
      %dma_wait3A_80 = arith.constant 0 : i32
      %dma_wait3A_81 = tpu.memref_slice %arg6[%run_scoped3A, %dma_wait3A_79, %dma_wait3A_80] : memref<2x128x32xf32, #tpu.memory_space<vmem>> -> memref<1x128x32xf32, #tpu.memory_space<vmem>>
      %dma_wait3A_82 = tpu.memref_squeeze %dma_wait3A_81 : memref<1x128x32xf32, #tpu.memory_space<vmem>> -> memref<128x32xf32, #tpu.memory_space<vmem>>
      tpu.wait_dma2 semaphore(%run_scoped3A_58 : memref<!tpu.dma_semaphore, #tpu.memory_space<semaphore_mem>>) src(%dma_wait3A_82 : memref<128x32xf32, #tpu.memory_space<vmem>>) dst(%dma_wait3A_78 : memref<128x32xf32, #tpu.memory_space<hbm>>)
      tpu.yield
    }) : () -> ()
    %mul3A_53 = arith.constant 256 : i32
    %mul3A_54 = arith.muli %add3A, %mul3A_53 : i32
    %add3A_55 = arith.constant 128 : i32
    %add3A_56 = arith.addi %mul3A_54, %add3A_55 : i32
    %run_scoped3A_57 = arith.constant 1 : i32
    "tpu.region"() ({
      %run_scoped3A_58 = tpu.sem_alloc : memref<!tpu.dma_semaphore, #tpu.memory_space<semaphore_mem>>
      %dma_start3A_59 = arith.constant 0 : i32
      %dma_start3A_60 = arith.constant 0 : i32
      %dma_start3A_61 = tpu.memref_slice %arg6[%run_scoped3A_57, %dma_start3A_59, %dma_start3A_60] : memref<2x128x32xf32, #tpu.memory_space<vmem>> -> memref<1x128x32xf32, #tpu.memory_space<vmem>>
      %dma_start3A_62 = tpu.memref_squeeze %dma_start3A_61 : memref<1x128x32xf32, #tpu.memory_space<vmem>> -> memref<128x32xf32, #tpu.memory_space<vmem>>
      %dma_start3A_63 = arith.constant 0 : i32
      %dma_start3A_64 = tpu.memref_slice %arg4[%add3A_56, %dma_start3A_63] : memref<8192x32xf32, #tpu.memory_space<hbm>> -> memref<128x32xf32, #tpu.memory_space<hbm>>
      %dma_start3A_65 = arith.constant 0 : i32
      %dma_start3A_66 = tpu.memref_slice %arg4[%add3A_56, %dma_start3A_65] : memref<8192x32xf32, #tpu.memory_space<hbm>> -> memref<128x32xf32, #tpu.memory_space<hbm>>
      %dma_start3A_67 = arith.constant 0 : i32
      %dma_start3A_68 = arith.constant 0 : i32
      %dma_start3A_69 = tpu.memref_slice %arg6[%run_scoped3A_57, %dma_start3A_67, %dma_start3A_68] : memref<2x128x32xf32, #tpu.memory_space<vmem>> -> memref<1x128x32xf32, #tpu.memory_space<vmem>>
      %dma_start3A_70 = tpu.memref_squeeze %dma_start3A_69 : memref<1x128x32xf32, #tpu.memory_space<vmem>> -> memref<128x32xf32, #tpu.memory_space<vmem>>
      tpu.enqueue_dma source(%dma_start3A_70 : memref<128x32xf32, #tpu.memory_space<vmem>>) target(%dma_start3A_66 : memref<128x32xf32, #tpu.memory_space<hbm>>) target_semaphore(%run_scoped3A_58 : memref<!tpu.dma_semaphore, #tpu.memory_space<semaphore_mem>>)
      %dma_wait3A_71 = arith.constant 0 : i32
      %dma_wait3A_72 = arith.constant 0 : i32
      %dma_wait3A_73 = tpu.memref_slice %arg6[%run_scoped3A_57, %dma_wait3A_71, %dma_wait3A_72] : memref<2x128x32xf32, #tpu.memory_space<vmem>> -> memref<1x128x32xf32, #tpu.memory_space<vmem>>
      %dma_wait3A_74 = tpu.memref_squeeze %dma_wait3A_73 : memref<1x128x32xf32, #tpu.memory_space<vmem>> -> memref<128x32xf32, #tpu.memory_space<vmem>>
      %dma_wait3A_75 = arith.constant 0 : i32
      %dma_wait3A_76 = tpu.memref_slice %arg4[%add3A_56, %dma_wait3A_75] : memref<8192x32xf32, #tpu.memory_space<hbm>> -> memref<128x32xf32, #tpu.memory_space<hbm>>
      %dma_wait3A_77 = arith.constant 0 : i32
      %dma_wait3A_78 = tpu.memref_slice %arg4[%add3A_56, %dma_wait3A_77] : memref<8192x32xf32, #tpu.memory_space<hbm>> -> memref<128x32xf32, #tpu.memory_space<hbm>>
      %dma_wait3A_79 = arith.constant 0 : i32
      %dma_wait3A_80 = arith.constant 0 : i32
      %dma_wait3A_81 = tpu.memref_slice %arg6[%run_scoped3A_57, %dma_wait3A_79, %dma_wait3A_80] : memref<2x128x32xf32, #tpu.memory_space<vmem>> -> memref<1x128x32xf32, #tpu.memory_space<vmem>>
      %dma_wait3A_82 = tpu.memref_squeeze %dma_wait3A_81 : memref<1x128x32xf32, #tpu.memory_space<vmem>> -> memref<128x32xf32, #tpu.memory_space<vmem>>
      tpu.wait_dma2 semaphore(%run_scoped3A_58 : memref<!tpu.dma_semaphore, #tpu.memory_space<semaphore_mem>>) src(%dma_wait3A_82 : memref<128x32xf32, #tpu.memory_space<vmem>>) dst(%dma_wait3A_78 : memref<128x32xf32, #tpu.memory_space<hbm>>)
      tpu.yield
    }) : () -> ()
    return
  }
}

module attributes {stable_mosaic.version = 14 : i64} {
  func.func @_dist_argmin_body(%arg0: i32, %arg1: memref<1024x32xf32, #tpu.memory_space<vmem>>, %arg2: memref<32x8192xf32, #tpu.memory_space<vmem>>, %arg3: memref<1024x1xi32, #tpu.memory_space<vmem>>) attributes {dimension_semantics = [#tpu.dimension_semantics<arbitrary>], iteration_bounds = array<i64: 8>, scalar_prefetch = 0 : i64, scratch_operands = 0 : i64, tpu.core_type = #tpu.core_type<tc>, window_params = [{transform_indices = @transform_0, window_bounds = array<i64: 1024, 32>}, {pipeline_mode = #tpu.pipeline_mode<synchronous>, transform_indices = @transform_1, window_bounds = array<i64: 32, 8192>}, {transform_indices = @transform_2, window_bounds = array<i64: 1024, 1>}]} {
    %get3A = arith.constant 0 : index
    %get3A_0 = arith.constant 0 : index
    %get3A_1 = vector.load %arg1[%get3A, %get3A_0] : memref<1024x32xf32, #tpu.memory_space<vmem>>, vector<1024x32xf32>
    %get3A_2 = arith.constant 0 : index
    %get3A_3 = arith.constant 0 : index
    %get3A_4 = vector.load %arg2[%get3A_2, %get3A_3] : memref<32x8192xf32, #tpu.memory_space<vmem>>, vector<32x8192xf32>
    %mul3A = arith.mulf %get3A_1, %get3A_1 : vector<1024x32xf32>
    %reduce_sum3A = arith.constant dense<0.000000e+00> : vector<1024xf32>
    %reduce_sum3A_5 = vector.multi_reduction <add>, %mul3A, %reduce_sum3A [1] : vector<1024x32xf32> to vector<1024xf32>
    %broadcast_in_dim3A = vector.shape_cast %reduce_sum3A_5 : vector<1024xf32> to vector<1024x1xf32>
    %mul3A_6 = arith.mulf %get3A_4, %get3A_4 : vector<32x8192xf32>
    %reduce_sum3A_7 = arith.constant dense<0.000000e+00> : vector<8192xf32>
    %reduce_sum3A_8 = vector.multi_reduction <add>, %mul3A_6, %reduce_sum3A_7 [0] : vector<32x8192xf32> to vector<8192xf32>
    %broadcast_in_dim3A_9 = vector.shape_cast %reduce_sum3A_8 : vector<8192xf32> to vector<1x8192xf32>
    %mul3A_10 = arith.constant -2.000000e+00 : f32
    %mul3A_11 = vector.broadcast %mul3A_10 : f32 to vector<1024x32xf32>
    %mul3A_12 = arith.mulf %mul3A_11, %get3A_1 : vector<1024x32xf32>
    %dot_general3A = arith.constant dense<0.000000e+00> : vector<1024x8192xf32>
    %dot_general3A_13 = tpu.matmul %mul3A_12, %get3A_4, %dot_general3A {dimension_numbers = #tpu.dot_dimension_numbers<[1], [0], [0], [1], [0, 0, 1, 1], [], []>, transpose_lhs_hint = false} : vector<1024x32xf32>, vector<32x8192xf32>, vector<1024x8192xf32> -> vector<1024x8192xf32>
    %iota3A = tpu.iota {dimensions = array<i32: 1>} : vector<1024x2048xi32>
    %convert_element_type3A = arith.sitofp %iota3A : vector<1024x2048xi32> to vector<1024x2048xf32>
    %slice3A = vector.extract_strided_slice %broadcast_in_dim3A_9 {offsets = [0, 0], sizes = [1, 2048], strides = [1, 1]} : vector<1x8192xf32> to vector<1x2048xf32>
    %add3A = vector.broadcast %broadcast_in_dim3A : vector<1024x1xf32> to vector<1024x2048xf32>
    %add3A_14 = vector.broadcast %slice3A : vector<1x2048xf32> to vector<1024x2048xf32>
    %add3A_15 = arith.addf %add3A, %add3A_14 : vector<1024x2048xf32>
    %slice3A_16 = vector.extract_strided_slice %dot_general3A_13 {offsets = [0, 0], sizes = [1024, 2048], strides = [1, 1]} : vector<1024x8192xf32> to vector<1024x2048xf32>
    %add3A_17 = arith.addf %add3A_15, %slice3A_16 : vector<1024x2048xf32>
    %reduce_min3A = arith.constant dense<0x7F800000> : vector<1024xf32>
    %reduce_min3A_18 = vector.multi_reduction <minimumf>, %add3A_17, %reduce_min3A [1] : vector<1024x2048xf32> to vector<1024xf32>
    %broadcast_in_dim3A_19 = vector.shape_cast %reduce_min3A_18 : vector<1024xf32> to vector<1024x1xf32>
    %eq3A = vector.broadcast %broadcast_in_dim3A_19 : vector<1024x1xf32> to vector<1024x2048xf32>
    %eq3A_20 = arith.cmpf oeq, %add3A_17, %eq3A : vector<1024x2048xf32>
    %jit3A = arith.constant 2.048000e+03 : f32
    %broadcast_in_dim3A_21 = vector.broadcast %jit3A : f32 to vector<1024x2048xf32>
    %select_n3A = arith.select %eq3A_20, %convert_element_type3A, %broadcast_in_dim3A_21 : vector<1024x2048xi1>, vector<1024x2048xf32>
    %reduce_min3A_22 = arith.constant dense<0x7F800000> : vector<1024xf32>
    %reduce_min3A_23 = vector.multi_reduction <minimumf>, %select_n3A, %reduce_min3A_22 [1] : vector<1024x2048xf32> to vector<1024xf32>
    %broadcast_in_dim3A_24 = vector.shape_cast %reduce_min3A_23 : vector<1024xf32> to vector<1024x1xf32>
    %convert_element_type3A_25 = arith.fptosi %broadcast_in_dim3A_24 : vector<1024x1xf32> to vector<1024x1xi32>
    %add3A_26 = arith.constant 0 : i32
    %add3A_27 = vector.broadcast %add3A_26 : i32 to vector<1024x1xi32>
    %add3A_28 = arith.addi %convert_element_type3A_25, %add3A_27 : vector<1024x1xi32>
    %convert_element_type3A_29 = arith.truncf %broadcast_in_dim3A_19 : vector<1024x1xf32> to vector<1024x1xbf16>
    %convert_element_type3A_30 = arith.extf %convert_element_type3A_29 : vector<1024x1xbf16> to vector<1024x1xf32>
    %slice3A_31 = vector.extract_strided_slice %broadcast_in_dim3A_9 {offsets = [0, 2048], sizes = [1, 2048], strides = [1, 1]} : vector<1x8192xf32> to vector<1x2048xf32>
    %add3A_32 = vector.broadcast %broadcast_in_dim3A : vector<1024x1xf32> to vector<1024x2048xf32>
    %add3A_33 = vector.broadcast %slice3A_31 : vector<1x2048xf32> to vector<1024x2048xf32>
    %add3A_34 = arith.addf %add3A_32, %add3A_33 : vector<1024x2048xf32>
    %slice3A_35 = vector.extract_strided_slice %dot_general3A_13 {offsets = [0, 2048], sizes = [1024, 2048], strides = [1, 1]} : vector<1024x8192xf32> to vector<1024x2048xf32>
    %add3A_36 = arith.addf %add3A_34, %slice3A_35 : vector<1024x2048xf32>
    %reduce_min3A_37 = arith.constant dense<0x7F800000> : vector<1024xf32>
    %reduce_min3A_38 = vector.multi_reduction <minimumf>, %add3A_36, %reduce_min3A_37 [1] : vector<1024x2048xf32> to vector<1024xf32>
    %broadcast_in_dim3A_39 = vector.shape_cast %reduce_min3A_38 : vector<1024xf32> to vector<1024x1xf32>
    %eq3A_40 = vector.broadcast %broadcast_in_dim3A_39 : vector<1024x1xf32> to vector<1024x2048xf32>
    %eq3A_41 = arith.cmpf oeq, %add3A_36, %eq3A_40 : vector<1024x2048xf32>
    %jit3A_42 = arith.constant 2.048000e+03 : f32
    %broadcast_in_dim3A_43 = vector.broadcast %jit3A_42 : f32 to vector<1024x2048xf32>
    %select_n3A_44 = arith.select %eq3A_41, %convert_element_type3A, %broadcast_in_dim3A_43 : vector<1024x2048xi1>, vector<1024x2048xf32>
    %reduce_min3A_45 = arith.constant dense<0x7F800000> : vector<1024xf32>
    %reduce_min3A_46 = vector.multi_reduction <minimumf>, %select_n3A_44, %reduce_min3A_45 [1] : vector<1024x2048xf32> to vector<1024xf32>
    %broadcast_in_dim3A_47 = vector.shape_cast %reduce_min3A_46 : vector<1024xf32> to vector<1024x1xf32>
    %convert_element_type3A_48 = arith.fptosi %broadcast_in_dim3A_47 : vector<1024x1xf32> to vector<1024x1xi32>
    %add3A_49 = arith.constant 2048 : i32
    %add3A_50 = vector.broadcast %add3A_49 : i32 to vector<1024x1xi32>
    %add3A_51 = arith.addi %convert_element_type3A_48, %add3A_50 : vector<1024x1xi32>
    %lt3A = arith.cmpf olt, %convert_element_type3A_30, %broadcast_in_dim3A_39 : vector<1024x1xf32>
    %eq3A_52 = arith.cmpf oeq, %convert_element_type3A_30, %broadcast_in_dim3A_39 : vector<1024x1xf32>
    %lt3A_53 = arith.cmpi slt, %add3A_28, %add3A_51 : vector<1024x1xi32>
    %and3A = arith.andi %eq3A_52, %lt3A_53 : vector<1024x1xi1>
    %or3A = arith.ori %lt3A, %and3A : vector<1024x1xi1>
    %select_n3A_54 = arith.select %or3A, %convert_element_type3A_30, %broadcast_in_dim3A_39 : vector<1024x1xi1>, vector<1024x1xf32>
    %select_n3A_55 = arith.select %or3A, %add3A_28, %add3A_51 : vector<1024x1xi1>, vector<1024x1xi32>
    %convert_element_type3A_56 = arith.truncf %select_n3A_54 : vector<1024x1xf32> to vector<1024x1xbf16>
    %convert_element_type3A_57 = arith.extf %convert_element_type3A_56 : vector<1024x1xbf16> to vector<1024x1xf32>
    %slice3A_58 = vector.extract_strided_slice %broadcast_in_dim3A_9 {offsets = [0, 4096], sizes = [1, 2048], strides = [1, 1]} : vector<1x8192xf32> to vector<1x2048xf32>
    %add3A_59 = vector.broadcast %broadcast_in_dim3A : vector<1024x1xf32> to vector<1024x2048xf32>
    %add3A_60 = vector.broadcast %slice3A_58 : vector<1x2048xf32> to vector<1024x2048xf32>
    %add3A_61 = arith.addf %add3A_59, %add3A_60 : vector<1024x2048xf32>
    %slice3A_62 = vector.extract_strided_slice %dot_general3A_13 {offsets = [0, 4096], sizes = [1024, 2048], strides = [1, 1]} : vector<1024x8192xf32> to vector<1024x2048xf32>
    %add3A_63 = arith.addf %add3A_61, %slice3A_62 : vector<1024x2048xf32>
    %reduce_min3A_64 = arith.constant dense<0x7F800000> : vector<1024xf32>
    %reduce_min3A_65 = vector.multi_reduction <minimumf>, %add3A_63, %reduce_min3A_64 [1] : vector<1024x2048xf32> to vector<1024xf32>
    %broadcast_in_dim3A_66 = vector.shape_cast %reduce_min3A_65 : vector<1024xf32> to vector<1024x1xf32>
    %eq3A_67 = vector.broadcast %broadcast_in_dim3A_66 : vector<1024x1xf32> to vector<1024x2048xf32>
    %eq3A_68 = arith.cmpf oeq, %add3A_63, %eq3A_67 : vector<1024x2048xf32>
    %jit3A_69 = arith.constant 2.048000e+03 : f32
    %broadcast_in_dim3A_70 = vector.broadcast %jit3A_69 : f32 to vector<1024x2048xf32>
    %select_n3A_71 = arith.select %eq3A_68, %convert_element_type3A, %broadcast_in_dim3A_70 : vector<1024x2048xi1>, vector<1024x2048xf32>
    %reduce_min3A_72 = arith.constant dense<0x7F800000> : vector<1024xf32>
    %reduce_min3A_73 = vector.multi_reduction <minimumf>, %select_n3A_71, %reduce_min3A_72 [1] : vector<1024x2048xf32> to vector<1024xf32>
    %broadcast_in_dim3A_74 = vector.shape_cast %reduce_min3A_73 : vector<1024xf32> to vector<1024x1xf32>
    %convert_element_type3A_75 = arith.fptosi %broadcast_in_dim3A_74 : vector<1024x1xf32> to vector<1024x1xi32>
    %add3A_76 = arith.constant 4096 : i32
    %add3A_77 = vector.broadcast %add3A_76 : i32 to vector<1024x1xi32>
    %add3A_78 = arith.addi %convert_element_type3A_75, %add3A_77 : vector<1024x1xi32>
    %lt3A_79 = arith.cmpf olt, %convert_element_type3A_57, %broadcast_in_dim3A_66 : vector<1024x1xf32>
    %eq3A_80 = arith.cmpf oeq, %convert_element_type3A_57, %broadcast_in_dim3A_66 : vector<1024x1xf32>
    %lt3A_81 = arith.cmpi slt, %select_n3A_55, %add3A_78 : vector<1024x1xi32>
    %and3A_82 = arith.andi %eq3A_80, %lt3A_81 : vector<1024x1xi1>
    %or3A_83 = arith.ori %lt3A_79, %and3A_82 : vector<1024x1xi1>
    %select_n3A_84 = arith.select %or3A_83, %convert_element_type3A_57, %broadcast_in_dim3A_66 : vector<1024x1xi1>, vector<1024x1xf32>
    %select_n3A_85 = arith.select %or3A_83, %select_n3A_55, %add3A_78 : vector<1024x1xi1>, vector<1024x1xi32>
    %convert_element_type3A_86 = arith.truncf %select_n3A_84 : vector<1024x1xf32> to vector<1024x1xbf16>
    %convert_element_type3A_87 = arith.extf %convert_element_type3A_86 : vector<1024x1xbf16> to vector<1024x1xf32>
    %slice3A_88 = vector.extract_strided_slice %broadcast_in_dim3A_9 {offsets = [0, 6144], sizes = [1, 2048], strides = [1, 1]} : vector<1x8192xf32> to vector<1x2048xf32>
    %add3A_89 = vector.broadcast %broadcast_in_dim3A : vector<1024x1xf32> to vector<1024x2048xf32>
    %add3A_90 = vector.broadcast %slice3A_88 : vector<1x2048xf32> to vector<1024x2048xf32>
    %add3A_91 = arith.addf %add3A_89, %add3A_90 : vector<1024x2048xf32>
    %slice3A_92 = vector.extract_strided_slice %dot_general3A_13 {offsets = [0, 6144], sizes = [1024, 2048], strides = [1, 1]} : vector<1024x8192xf32> to vector<1024x2048xf32>
    %add3A_93 = arith.addf %add3A_91, %slice3A_92 : vector<1024x2048xf32>
    %reduce_min3A_94 = arith.constant dense<0x7F800000> : vector<1024xf32>
    %reduce_min3A_95 = vector.multi_reduction <minimumf>, %add3A_93, %reduce_min3A_94 [1] : vector<1024x2048xf32> to vector<1024xf32>
    %broadcast_in_dim3A_96 = vector.shape_cast %reduce_min3A_95 : vector<1024xf32> to vector<1024x1xf32>
    %eq3A_97 = vector.broadcast %broadcast_in_dim3A_96 : vector<1024x1xf32> to vector<1024x2048xf32>
    %eq3A_98 = arith.cmpf oeq, %add3A_93, %eq3A_97 : vector<1024x2048xf32>
    %jit3A_99 = arith.constant 2.048000e+03 : f32
    %broadcast_in_dim3A_100 = vector.broadcast %jit3A_99 : f32 to vector<1024x2048xf32>
    %select_n3A_101 = arith.select %eq3A_98, %convert_element_type3A, %broadcast_in_dim3A_100 : vector<1024x2048xi1>, vector<1024x2048xf32>
    %reduce_min3A_102 = arith.constant dense<0x7F800000> : vector<1024xf32>
    %reduce_min3A_103 = vector.multi_reduction <minimumf>, %select_n3A_101, %reduce_min3A_102 [1] : vector<1024x2048xf32> to vector<1024xf32>
    %broadcast_in_dim3A_104 = vector.shape_cast %reduce_min3A_103 : vector<1024xf32> to vector<1024x1xf32>
    %convert_element_type3A_105 = arith.fptosi %broadcast_in_dim3A_104 : vector<1024x1xf32> to vector<1024x1xi32>
    %add3A_106 = arith.constant 6144 : i32
    %add3A_107 = vector.broadcast %add3A_106 : i32 to vector<1024x1xi32>
    %add3A_108 = arith.addi %convert_element_type3A_105, %add3A_107 : vector<1024x1xi32>
    %lt3A_109 = arith.cmpf olt, %convert_element_type3A_87, %broadcast_in_dim3A_96 : vector<1024x1xf32>
    %eq3A_110 = arith.cmpf oeq, %convert_element_type3A_87, %broadcast_in_dim3A_96 : vector<1024x1xf32>
    %lt3A_111 = arith.cmpi slt, %select_n3A_85, %add3A_108 : vector<1024x1xi32>
    %and3A_112 = arith.andi %eq3A_110, %lt3A_111 : vector<1024x1xi1>
    %or3A_113 = arith.ori %lt3A_109, %and3A_112 : vector<1024x1xi1>
    %select_n3A_114 = arith.select %or3A_113, %select_n3A_85, %add3A_108 : vector<1024x1xi1>, vector<1024x1xi32>
    %swap3A = arith.constant 0 : index
    %swap3A_115 = arith.constant 0 : index
    %swap3A_116 = vector.load %arg3[%swap3A, %swap3A_115] : memref<1024x1xi32, #tpu.memory_space<vmem>>, vector<1024x1xi32>
    tpu.vector_store %arg3[%swap3A, %swap3A_115], %select_n3A_114 {strides = array<i32>} : memref<1024x1xi32, #tpu.memory_space<vmem>>, vector<1024x1xi32>,
    return
  }
  func.func @transform_0(%arg0: i32) -> (i32, i32) {
    %c0_i32 = arith.constant 0 : i32
    %c0_i32_0 = arith.constant 0 : i32
    return %arg0, %c0_i32 : i32, i32
  }
  func.func @transform_1(%arg0: i32) -> (i32, i32) {
    %c0_i32 = arith.constant 0 : i32
    %c0_i32_0 = arith.constant 0 : i32
    %c0_i32_1 = arith.constant 0 : i32
    return %c0_i32, %c0_i32_0 : i32, i32
  }
  func.func @transform_2(%arg0: i32) -> (i32, i32) {
    %c0_i32 = arith.constant 0 : i32
    %c0_i32_0 = arith.constant 0 : i32
    return %arg0, %c0_i32 : i32, i32
  }
}

</mosaic_0001>

<sc_bundles>
// kernel: kernel.4.cloned.1.call-start
scs
__scs_entry_jumppad:
0x0: {  	(pc) =	sbr.rel $0x88, $3  }
0x1: {  	(tag) =	ssettag $0x0;
	lr =	simm.s32 $0x1  }
0x2: {  	[smem:$0x3F9F] =	sst lr;
	_ =	strace $0xD0000000  }
0x3: {  	_ = 	snop  }
0x4: {  	_ = 	snop  }
0x5: {  	_ = 	snop  }
0x6: {  	_ = 	snop  }
0x7: {  	_ = 	snop  }
__scs_overlays_trampoline_lowered:
0x8: {  	[smem:$0x3FAE] =	sst s0  }
0x9: {  	[smem:$0x3FAF] =	sst s1  }
0xa: {  	[smem:$0x3FB0] =	sst s2  }
0xb: {  	[smem:$0x3FB1] =	sst s3  }
0xc: {  	[smem:$0x3FB2] =	sst s4  }
0xd: {  	[smem:$0x3FB3] =	sst s5  }
0xe: {  	[smem:$0x3FB4] =	sst s6  }
0xf: {  	[smem:$0x3FB5] =	sst s7  }
0x10: {  	[smem:$0x3FB6] =	sst s8  }
0x11: {  	[smem:$0x3FB7] =	sst s9;
	s0 =	simm.s32 @!p0 $0x0  }
0x12: {  	s1 =	sld [smem:$0x3F9D];
	s0 =	simm.s32 @p0 $0x1  }
0x13: {  	[smem:$0x3FB8] =	sst s0;
	s0 =	simm.s32 @!p1 $0x0  }
0x14: {  	s2 =	sld [smem:$0x3F9C];
	s0 =	simm.s32 @p1 $0x1  }
0x15: {  	[smem:$0x3FB9] =	sst s0;
	s0 =	simm.s32 @!p2 $0x0  }
0x16: {  	s3 =	sld [smem:$0x3FDB];
	s0 =	simm.s32 @p2 $0x1  }
0x17: {  	s4 =	simm.s32 $0x1BF5;
	[smem:$0x3FBB] =	sst s0  }
0x18: {  	s0 =	sld [smem:$0x3F9E];
	_ =	swait.ge [sflag:s4], $0x0  }
0x19: {  	s7 =	sld [smem:$0x3F9F]  }
0x1a: {  	s8 =	sadd.s32 $0xFFFFE003, lr  }
0x1b: {  	s9 =	sadd.s32 $0xFFFFFEF7, lr;
	s5 =	simm.s32 $0xFFFFFFFF;
	p2 =	slt.u32 s8, $0xFFFFF086  }
0x1c: {  	p1 =	slt.u32 s9, $0xF7A;
	s5 =	simm.s32 @!p2 $0x0  }
0x1d: {  	s5 =	simm.s32 @p1 $0x1;
	p0 =	seq.s32 s7, s2  }
0x1e: {  	s7 =	smul.u32 @!p0 $0xF7A, s2;
	p2 =	seq.s32 @!p0 s5, $0x0  }
0x1f: {  	s9 =	smul.u32 $0xF7A, s1;
	s8 =	simm.s32 @!p0 $0x1BF5;
	p2 =	por !p2, p0  }
0x20: {  	[sflag:s8] =	ssyncset.s32 @!p0 $0xFFFFF086;
	s6 =	sadd.s32 @!p0 s3, s7;
	s7 =	simm.s32 @!p0 $0x108  }
0x21: {  	s3 =	sadd.s32 s3, s9;
	s6 =	sadd.s32 @!p0 $0x88, s6;
	s7 =	simm.s32 @p2 $0x1082  }
0x22: {  	[simem:s7], [sflag:s8] =	dma.local @!p0 [hbm:s6], $0xF7A  }
0x23: {  	s9 =	sor.u32 $0xD0000000, s2;
	s6 =	simm.s32 $0x108;
	_ =	swait.ge @!p0 [sflag:s8], $0x0  }
0x24: {  	s3 =	sadd.s32 $0x88, s3;
	s6 =	simm.s32 @!p1 $0x1082;
	[sflag:s4] =	ssyncset.s32 $0xFFFFF086  }
0x25: {  	[simem:s6], [sflag:s4] =	dma.local [hbm:s3], $0xF7A  }
0x26: {  	[smem:$0x3F9F] =	sst s1;
	(tag) =	ssettag s2;
	_ =	strace s9  }
0x27: {  	s1 =	sld [smem:$0x3FAF]  }
0x28: {  	s2 =	sld [smem:$0x3FB0]  }
0x29: {  	s4 =	sld [smem:$0x3FB2]  }
0x2a: {  	p0 =	seq.s32 s5, $0x0;
	s5 =	sld [smem:$0x3FB3]  }
0x2b: {  	s6 =	sld [smem:$0x3FB4]  }
0x2c: {  	s7 =	sld [smem:$0x3FB5]  }
0x2d: {  	s3 =	simm.s32 $0x108;
	s8 =	sld [smem:$0x3FB6]  }
0x2e: {  	s3 =	simm.s32 @!p0 $0x1082;
	s9 =	sld [smem:$0x3FB7]  }
0x2f: {  	lr =	sadd.s32 s0, s3;
	s0 =	sld [smem:$0x3FAE]  }
0x30: {  	s3 =	sld [smem:$0x3FB1]  }
0x31: {  	[smem:$0x3FBA] =	sst s10  }
0x32: {  	s10 =	sld [smem:$0x3FB8];
	_ =	sdelay $0x3  }
0x33: {  	p0 =	seq.s32 s10, $0x1;
	s10 =	sld [smem:$0x3FBA];
	_ =	sdelay $0x3  }
0x34: {  	[smem:$0x3FBA] =	sst s10  }
0x35: {  	s10 =	sld [smem:$0x3FB9];
	_ =	sdelay $0x3  }
0x36: {  	p1 =	seq.s32 s10, $0x1;
	s10 =	sld [smem:$0x3FBA];
	_ =	sdelay $0x3  }
0x37: {  	[smem:$0x3FBA] =	sst s10  }
0x38: {  	s10 =	sld [smem:$0x3FBB]  }
0x39: {  	_ = 	snop;
	(pc) =	sbr.ind lr, $3  }
0x3a: {  	_ = 	snop  }
0x3b: {  	_ = 	snop  }
0x3c: {  	p2 =	seq.s32 s10, $0x1;
	s10 =	sld [smem:$0x3FBA]  }
0x3d: {  	_ =	shalt  }
0x3e: {  	_ =	shalt  }
0x3f: {  	_ =	shalt  }
0x40: {  	_ =	shalt  }
0x41: {  	_ =	shalt  }
0x42: {  	_ =	shalt  }
0x43: {  	_ =	shalt  }
0x44: {  	_ =	shalt  }
0x45: {  	_ =	shalt  }
0x46: {  	_ =	shalt  }
0x47: {  	_ =	shalt  }
0x48: {  	_ =	shalt  }
0x49: {  	_ =	shalt  }
0x4a: {  	_ =	shalt  }
0x4b: {  	_ =	shalt  }
0x4c: {  	_ =	shalt  }
0x4d: {  	_ =	shalt  }
0x4e: {  	_ =	shalt  }
0x4f: {  	_ =	shalt  }
0x50: {  	_ =	shalt  }
0x51: {  	_ =	shalt  }
0x52: {  	_ =	shalt  }
0x53: {  	_ =	shalt  }
0x54: {  	_ =	shalt  }
0x55: {  	_ =	shalt  }
0x56: {  	_ =	shalt  }
0x57: {  	_ =	shalt  }
0x58: {  	_ =	shalt  }
0x59: {  	_ =	shalt  }
0x5a: {  	_ =	shalt  }
0x5b: {  	_ =	shalt  }
0x5c: {  	_ =	shalt  }
0x5d: {  	_ =	shalt  }
0x5e: {  	_ =	shalt  }
0x5f: {  	_ =	shalt  }
0x60: {  	_ =	shalt  }
0x61: {  	_ =	shalt  }
0x62: {  	_ =	shalt  }
0x63: {  	_ =	shalt  }
0x64: {  	_ =	shalt  }
0x65: {  	_ =	shalt  }
0x66: {  	_ =	shalt  }
0x67: {  	_ =	shalt  }
0x68: {  	_ =	shalt  }
0x69: {  	_ =	shalt  }
0x6a: {  	_ =	shalt  }
0x6b: {  	_ =	shalt  }
0x6c: {  	_ =	shalt  }
0x6d: {  	_ =	shalt  }
0x6e: {  	_ =	shalt  }
0x6f: {  	_ =	shalt  }
0x70: {  	_ =	shalt  }
0x71: {  	_ =	shalt  }
0x72: {  	_ =	shalt  }
0x73: {  	_ =	shalt  }
0x74: {  	_ =	shalt  }
0x75: {  	_ =	shalt  }
0x76: {  	_ =	shalt  }
0x77: {  	_ =	shalt  }
0x78: {  	_ =	shalt  }
0x79: {  	_ =	shalt  }
0x7a: {  	_ =	shalt  }
0x7b: {  	_ =	shalt  }
0x7c: {  	_ =	shalt  }
0x7d: {  	_ =	shalt  }
0x7e: {  	_ =	shalt  }
0x7f: {  	_ =	shalt  }
0x80: {  	_ =	shalt  }
0x81: {  	_ =	shalt  }
0x82: {  	_ =	shalt  }
0x83: {  	_ =	shalt  }
0x84: {  	_ =	shalt  }
0x85: {  	_ =	shalt  }
0x86: {  	_ =	shalt  }
0x87: {  	_ =	shalt  }
.Lfunc_end0:
.L_simem_size_0:
called_computation_lowered:
.L_overlay_start_0:
0x88: {  	s2 =	sld [smem:$0x3FD9]  }
0x89: {  	s3 =	sld [smem:$0x3FFE];
	_ =	sdelay $0x1  }
0x8a: {  	s1 =	srdreg.scid  }
0x8b: {  	s0 =	sand.u32 $0x1, s1  }
0x8c: {  	s14 =	sshll.u32 s0, $0xA;
	s2 =	sadd.s32 s3, s2  }
0x8d: {  	s2 =	sadd.s32 s2, s14  }
0x8e: {  	[smem:$0x3FC6] =	sst s2  }
0x8f: {  	_ = 	snop  }
0x90: {  	s2 =	sld [smem:$0x3FD0];
	_ =	sdelay $0x2  }
0x91: {  	s15 =	simm.s32 $0xA;
	s4 =	simm.s32 $0x10  }
0x92: {  	[smem:s4], [sflag:s15] =	dma.local [hbm:s2], $0x1  }
0x93: {  	_ =	swait.eq [sflag:s15], $0x1  }
0x94: {  	[sflag:s15] =	ssyncset.done $0x0  }
0x95: {  	s16 =	sld [smem:$0x10];
	[sflag:s15] =	ssyncadd.s32 $0xFFFFFFFF  }
0x96: {  	s17 =	sld [smem:$0x12];
	(tm) =	ssettm $0x1  }
0x97: {  	s18 =	sld [smem:$0x3FFB];
	_ =	sdelay $0x3  }
0x98: {  	_ =	strace s18  }
0x99: {  	s4 =	sld [smem:$0x3FFC];
	_ =	sdelay $0x3  }
0x9a: {  	_ =	strace s4  }
0x9b: {  	s4 =	sld [smem:$0x3FFD];
	_ =	sdelay $0x3  }
0x9c: {  	_ =	strace s4  }
0x9d: {  	_ =	strace $0x8FFFFFFF  }
0x9e: {  	s19 =	sld [smem:$0x3FDB];
	_ =	sdelay $0x1  }
0x9f: {  	s5 =	simm.s32 $_scs_section_size  }
0xa0: {  	s6 =	simm.s32 $_size__tile_overlayer_lowered;
	s7 =	simm.s32 $_tile_overlayer_lowered  }
0xa1: {  	s22 =	simm.s32 $0x1BFF;
	s21 =	sshll.u32 s7, $0x1;
	s4 =	sadd.s32 s5, s19  }
0xa2: {  	s8 =	simm.s32 $0x0;
	s20 =	sshll.u32 s6, $0x1;
	s6 =	sadd.s32 s21, s4  }
0xa3: {  	[timem:s8], [sflag:s22] =	dma.local [hbm:s6], s20  }
0xa4: {  	_ =	swait.ge [sflag:s22], s20  }
0xa5: {  	s5 =	ssub.s32 $0x0, s20;
	[sflag:s22] =	ssyncset.done $0x0  }
0xa6: {  	[sflag:s22] =	ssyncadd.s32 s5;
	_ =	sdelay $0x1  }
0xa7: {  	s23 =	simm.s32 $0x1B8B  }
0xa8: {  	_ =	swait.ge [sflag:s23], $0x1  }
0xa9: {  	[sflag:s23] =	ssyncset.done $0x0  }
0xaa: {  	s25 =	simm.s32 $0x1B8E;
	s24 =	sld [smem:$0x3FFE];
	[sflag:s23] =	ssyncadd.s32 $0xFFFFFFFF  }
0xab: {  	s26 =	simm.s32 $execute0_lowered;
	[smem:$0x3FD2] =	sst s25  }
0xac: {  	s6 =	sshll.u32 s26, $0x1;
	_ =	strace $0x80000046;
	[dreg:$0x1] =	wrdreg $0xFFFFFFFF  }
0xad: {  	s28 =	simm.s32 $_size_execute0_lowered;
	s4 =	sadd.s32 s4, s6;
	[dreg:$0x0] =	wrdreg $0x0  }
0xae: {  	s6 =	sshll.u32 s28, $0x1;
	[dreg:$0x2] =	wrdreg s4  }
0xaf: {  	[dreg:$0x3] =	wrdreg s6  }
0xb0: {  	[dreg:$0x4] =	wrdreg $0xC0  }
0xb1: {  	_ =	task [dreg:s8], $0x5FFFF  }
0xb2: {  	[dreg:$0x1] =	wrdreg $0xFFFFFFFF  }
0xb3: {  	[dreg:$0x0] =	wrdreg $0x60  }
0xb4: {  	[dreg:$0x2] =	wrdreg s16  }
0xb5: {  	[dreg:$0x3] =	wrdreg s17  }
0xb6: {  	[dreg:$0x4] =	wrdreg s24  }
0xb7: {  	[dreg:$0x5] =	wrdreg $0x9  }
0xb8: {  	_ =	task.clear_ibuf [dreg:s8], $0x6FFFF;
	_ =	strace $0x90000046  }
0xb9: {  	s29 =	simm.s32 $0x9;
	_ =	strace $0x80000048  }
0xba: {  	_ =	swait.ge [sflag:s29], $0x1  }
0xbb: {  	[sflag:s29] =	ssyncadd.s32 $0xFFFFFFFF  }
0xbc: {  	_ =	strace $0x90000048  }
0xbd: {  	_ =	sfence  }
0xbe: {  	s30 =	sld [smem:$0x0];
	_ =	sdelay $0x2  }
0xbf: {  	s31 =	sshll.u32 s1, $0xD;
	s1 =	sshrl.u32 s1, $0x2  }
0xc0: {  	s3 =	sand.u32 $0x4000, s31;
	s1 =	sadd.s32 s1, s30  }
0xc1: {  	s0 =	sor.u32 s3, s0;
	s1 =	sshll.u32 s1, $0x11  }
0xc2: {  	s0 =	sor.u32 s1, s0  }
0xc3: {  	s0 =	sadd.s32 $0x8F2B, s0  }
0xc4: {  	[sflag:s0] =	ssyncadd.remote.s32 $0x1  }
0xc5: {  	_ =	sfence.sel $0xFFFF  }
0xc6: {  	[dreg:$0x0] =	wrdreg $0xFFFFFFFF;
	(pc) =	sbr.abs _section_cstart, $3  }
0xc7: {  	[dreg:$0x1] =	wrdreg $0xFFFFFFFF  }
0xc8: {  	_ =	task.clear_ibuf [dreg:s8], $0x2FFFF;
	_ =	strace $0x9FFFFFFF  }
0xc9: {  	(tm) =	ssettm $0x7FFFFFFF  }
tec
execute0_lowered:
.L_overlay_start_1:
0x0: {  	(tag) =	ssettag $0x1  }
0x1: {  	s2 =	rddreg [dreg:$0x0]  }
0x2: {  	s4 =	rddreg [dreg:$0x1]  }
0x3: {  	s1 =	srdreg.scid;
	s0 =	stileid.u32  }
0x4: {  	s10 =	rddreg [dreg:$0x2];
	s11 =	sand.u32 $0x1, s1;
	s5 =	sshll.u32 s0, $0x1  }
0x5: {  	s3 =	simm.s32 $0x0;
	s1 =	rddreg [dreg:$0x3];
	s12 =	sor.u32 s11, s5  }
0x6: {  	[smem:$0x7FF] =	sst s3;
	s5 =	sshll.u32 s12, $0x5  }
0x7: {  	_ =	strace $0x80000047;
	s5 =	sadd.s32 s4, s5;
	s4 =	simm.s32 $0x2  }
0x8: {  	[tilespmem:s3], [sflag:$0x2] =	stream.linear.gather [hbm4b:s5+s3], $0x100, $0x38;
	[tilespmem:$0x2100] =	vst v63  }
0x9: {  	_ =	swait.ge [sflag:s4], $0x100  }
0xa: {  	[sflag:s4] =	ssyncset.done $0x0  }
0xb: {  	s6 =	simm.s32 $0x80;
	s7 =	simm.s32 $0x100;
	[sflag:s4] =	ssyncadd.s32 $0xFFFFFF00  }
0xc: {  	[tilespmem:s7], [sflag:$0x1] =	stream.indirect.gather [hbm4b:s2+s6], $0x20, s3, s6, $0xb8;
	[tilespmem:$0x2100] =	vst v63  }
0xd: {  	s8 =	simm.s32 $0x1100;
	s9 =	simm.s32 $0x1  }
0xe: {  	[tilespmem:s8], [sflag:$0x1] =	stream.indirect.gather [hbm4b:s2+s6], $0x20, s6, s6, $0xb8;
	[tilespmem:$0x2100] =	vst v63  }
0xf: {  	_ =	swait.ge [sflag:s9], $0x1000  }
0x10: {  	[sflag:s9] =	ssyncset.done $0x0  }
0x11: {  	s11 =	ssub.s32 $0x2, s11;
	[sflag:s9] =	ssyncadd.s32 $0xFFFFF000  }
0x12: {  	s12 =	sshll.u32 s12, $0xA;
	s13 =	sshrl.u32 s11, $0x1;
	_ =	swait.ge [sflag:s9], $0x1000  }
0x13: {  	s12 =	sadd.s32 s12, s10;
	s13 =	ssub.s32 s11, s13;
	[sflag:s9] =	ssyncset.done $0x0  }
0x14: {  	s10 =	sadd.s32 $0x200, s12;
	s31 =	smax.u32 s13, $0x1;
	[sflag:s9] =	ssyncadd.s32 $0xFFFFF000  }
0x15: {  	[hbm4b:s10+s3] =	stream.linear.scatter [tilespmem:s7], [sflag:$0x2], $0x1000, $0x38;
	[tilespmem:$0x2100] =	vst v63  }
0x16: {  	p0 =	sne.s32 s31, $0x1;
	_ =	swait.ge [sflag:s4], $0x1000  }
.Ltmp0:
0x17: {  	[sflag:s4] =	ssyncset.done $0x0;
	(pc) =	sbr.rel @!p0 .LBB2_2-.Ltmp0, $4  }
0x18: {  	s11 =	sadd.s32 $0x400, s12;
	[sflag:s4] =	ssyncadd.s32 $0xFFFFF000  }
0x19: {  	[hbm4b:s11+s3] =	stream.linear.scatter [tilespmem:s8], [sflag:$0x2], $0x1000, $0x38;
	[tilespmem:$0x2100] =	vst v63  }
0x1a: {  	_ =	swait.ge [sflag:s4], $0x1000  }
0x1b: {  	s12 =	sadd.s32 $0xFFFFFFFF, s31;
	[sflag:s4] =	ssyncset.done $0x0  }
.LBB2_1:
0x1c: {  	p0 =	sne.s32 s12, $0x1;
	s12 =	sadd.s32 $0xFFFFFFFF, s12;
	[sflag:s4] =	ssyncadd.s32 $0xFFFFF000  }
0x1d: {  	[tilespmem:s3], [sflag:$0x2] =	stream.linear.gather [hbm4b:s5+s3], $0x100, $0x38;
	[tilespmem:$0x2100] =	vst v63  }
0x1e: {  	_ =	swait.ge [sflag:s4], $0x100  }
0x1f: {  	[sflag:s4] =	ssyncset.done $0x0  }
0x20: {  	[sflag:s4] =	ssyncadd.s32 $0xFFFFFF00  }
0x21: {  	[tilespmem:s7], [sflag:$0x1] =	stream.indirect.gather [hbm4b:s2+s6], $0x20, s3, s6, $0xb8;
	[tilespmem:$0x2100] =	vst v63  }
0x22: {  	_ = 	snop  }
0x23: {  	[tilespmem:s8], [sflag:$0x1] =	stream.indirect.gather [hbm4b:s2+s6], $0x20, s6, s6, $0xb8;
	[tilespmem:$0x2100] =	vst v63  }
0x24: {  	_ =	swait.ge [sflag:s9], $0x1000  }
0x25: {  	[sflag:s9] =	ssyncset.done $0x0  }
0x26: {  	[sflag:s9] =	ssyncadd.s32 $0xFFFFF000  }
0x27: {  	_ =	swait.ge [sflag:s9], $0x1000  }
0x28: {  	[sflag:s9] =	ssyncset.done $0x0  }
0x29: {  	[sflag:s9] =	ssyncadd.s32 $0xFFFFF000  }
0x2a: {  	[hbm4b:s10+s3] =	stream.linear.scatter [tilespmem:s7], [sflag:$0x2], $0x1000, $0x38;
	[tilespmem:$0x2100] =	vst v63  }
0x2b: {  	_ =	swait.ge [sflag:s4], $0x1000  }
.Ltmp1:
0x2c: {  	[sflag:s4] =	ssyncset.done $0x0;
	(pc) =	sbr.rel @p0 .LBB2_1-.Ltmp1, $4  }
0x2d: {  	[sflag:s4] =	ssyncadd.s32 $0xFFFFF000  }
0x2e: {  	[hbm4b:s11+s3] =	stream.linear.scatter [tilespmem:s8], [sflag:$0x2], $0x1000, $0x38;
	[tilespmem:$0x2100] =	vst v63  }
0x2f: {  	_ =	swait.ge [sflag:s4], $0x1000  }
0x30: {  	[sflag:s4] =	ssyncset.done $0x0  }
.LBB2_2:
0x31: {  	[sflag:s4] =	ssyncadd.s32 $0xFFFFF000  }
0x32: {  	_ =	sfence.sel $0x180000  }
0x33: {  	[bflag:$0x0] =	sbarrier.arrive $0xFFFF  }
0x34: {  	p0 =	sne.s32 s0, $0x0;
	_ =	strace $0x90000047  }
0x35: {  	s0 =	sadd.s32 @!p0 $0x100000, s1;
	[bflag:$0x2] =	sbarrier.arrive $0xFFFF  }
0x36: {  	[sflag:s0] =	ssyncadd.tile.s32 @!p0 $0x1;
	_ =	shalt  }
.Lfunc_end2:
_tile_overlayer_lowered:
.L_overlay_start_2:
0x37: {  	(tag) =	ssettag $0x2  }
0x38: {  	s0 =	rddreg [dreg:$0x0];
	s2 =	stileid.u32  }
0x39: {  	s1 =	rddreg [dreg:$0x1];
	p0 =	sne.s32 s2, $0x0  }
0x3a: {  	s3 =	rddreg [dreg:$0x2];
	[bflag:$0x3] =	sbarrier.arrive $0xFFFF;
	s2 =	simm.s32 @!p0 $0x1C02  }
0x3b: {  	[timem:s3], [sflag:s2] =	dma.local @!p0 [hbm:s0], s1  }
0x3c: {  	s0 =	simm.s32 @!p0 $0x2  }
0x3d: {  	_ =	swait.ge @!p0 [sflag:s0], s1  }
0x3e: {  	s1 =	ssub.s32 @!p0 $0x0, s1;
	[sflag:s0] =	ssyncset.done @!p0 $0x0  }
0x3f: {  	[sflag:s0] =	ssyncadd.s32 @!p0 s1  }
0x40: {  	[bflag:$0x3] =	sbarrier.arrive $0xFFFF  }
0x41: {  	_ =	shalt  }

</sc_bundles>
